<compile_context>
chip_gen: v7x
topology: tpu7x:2x2x1
jax: 0.10.2.dev20260603
libtpu: 0.0.44.dev20260713+nightly
codegen_flags: <defaults>
</compile_context>

<pallas_src>
import functools

import jax
import jax.numpy as jnp
from jax import lax
from jax.experimental import pallas as pl
from jax.experimental.pallas import tpu as pltpu
from jax.experimental.pallas import tpu_sc as plsc

_D = 2048
_NC = 2
_NS = 16
_NW = _NC * _NS
_W = 16
_NBUF = 2


def kernel(x, table):
    b0, b1 = x.shape
    num = b0 * b1
    bpw = num // _NW
    nchunk = bpw // _W
    idx = x.T.reshape(num)

    mesh = plsc.VectorSubcoreMesh(core_axis_name="c", subcore_axis_name="s")

    @functools.partial(
        pl.kernel,
        mesh=mesh,
        out_type=jax.ShapeDtypeStruct((num, _D), table.dtype),
        scratch_types=[
            pltpu.VMEM((bpw,), jnp.int32),
            pltpu.VMEM((_W, _D), jnp.float32),
            pltpu.VMEM((_W, _D), jnp.float32),
            pltpu.SemaphoreType.DMA,
            pltpu.SemaphoreType.DMA,
        ],
    )
    def run(table_hbm, idx_hbm, out_hbm, idx_v, buf0, buf1, sem0, sem1):
        wid = lax.axis_index("s") * _NC + lax.axis_index("c")
        base = wid * bpw
        pltpu.sync_copy(idx_hbm.at[pl.ds(base, bpw)], idx_v)

        bufs = (buf0, buf1)
        sems = (sem0, sem1)
        for b in range(_NBUF):
            pltpu.async_copy(
                table_hbm.at[idx_v.at[pl.ds(b * _W, _W)]], bufs[b], sems[b]
            )

        @pl.loop(0, nchunk, step=_NBUF)
        def _(j):
            for b in range(_NBUF):
                c = j + b
                pltpu.make_async_copy(
                    table_hbm.at[idx_v.at[pl.ds(c * _W, _W)]], bufs[b], sems[b]
                ).wait()
                pltpu.sync_copy(bufs[b], out_hbm.at[pl.ds(base + c * _W, _W)])

                @pl.when(c + _NBUF < nchunk)
                def _():
                    pltpu.async_copy(
                        table_hbm.at[idx_v.at[pl.ds((c + _NBUF) * _W, _W)]],
                        bufs[b],
                        sems[b],
                    )

    out = run(table, idx)
    return out.reshape(b1, b0, _D).transpose(1, 0, 2)

# --- scband reference (transcript-rebuilt; emitter-appended) ---
"""Pipeline reference for scband-codebook-61538291417425 (READ-ONLY COPY).

The authoritative reference and input builder live on the scoring server;
editing this copy changes nothing except your own understanding.
"""

import jax, jax.numpy as jnp
import numpy as np

VOCAB_SIZE = 64
EMBED_DIM = 2048


def setup_inputs(seed: int = 0) -> dict:
    key = jax.random.key(seed)
    k_idx, k_tab = jax.random.split(key)
    x = jax.random.randint(k_idx, (1024, 20), 0, VOCAB_SIZE, dtype=jnp.int32)
    # Codebook embedding table: rows initialized then L2-normalized along dim=-1,
    # mirroring F.normalize(embedding.weight.data, dim=-1) in the torch module.
    table = jax.random.normal(k_tab, (VOCAB_SIZE, EMBED_DIM), dtype=jnp.float32)
    table = table / (jnp.linalg.norm(table, axis=-1, keepdims=True) + 1e-12)
    return {"x": x, "table": table}


def reference(x, table):
    # forward: self.embedding(x) -> gather rows of the codebook table
    return jnp.take(table, x, axis=0)

if __name__ == "__main__":
    import jax
    _d = setup_inputs()
    print(jax.jit(kernel)(*tuple(_d.values())))

</pallas_src>

<mosaic_0001>
#map = affine_map<(d0, d1) -> (0, 0)>
#map1 = affine_map<(d0, d1) -> (0)>
module attributes {stable_mosaic.version = 14 : i64} {
  func.func @run(%arg0: i32, %arg1: i32, %arg2: memref<64x2048xf32, #tpu.memory_space<hbm>>, %arg3: memref<20480xi32, #tpu.memory_space<hbm>>, %arg4: memref<20480x2048xf32, #tpu.memory_space<hbm>>, %arg5: memref<640xi32, #tpu.memory_space<vmem>>, %arg6: memref<16x2048xf32, #tpu.memory_space<vmem>>, %arg7: memref<16x2048xf32, #tpu.memory_space<vmem>>, %arg8: memref<!tpu.dma_semaphore, #tpu.memory_space<semaphore_mem>>, %arg9: memref<!tpu.dma_semaphore, #tpu.memory_space<semaphore_mem>>) attributes {dimension_semantics = [#tpu.dimension_semantics<core_parallel>, #tpu.dimension_semantics<subcore_parallel>], iteration_bounds = array<i64: 2, 16>, scalar_prefetch = 0 : i64, scratch_operands = 5 : i64, tpu.core_type = #tpu.core_type<sc_vector_subcore>, window_params = [{transform_indices = #map}, {transform_indices = #map1}, {transform_indices = #map}]} {
    %mul3A = arith.constant 2 : i32
    %mul3A_0 = arith.muli %arg1, %mul3A : i32
    %add3A = arith.addi %mul3A_0, %arg0 : i32
    %mul3A_1 = arith.constant 640 : i32
    %mul3A_2 = arith.muli %add3A, %mul3A_1 : i32
    "tpu.region"() ({
      %run_scoped3A = tpu.sem_alloc : memref<!tpu.dma_semaphore, #tpu.memory_space<semaphore_mem>>
      %dma_start3A_16 = tpu.memref_slice %arg3[%mul3A_2] : memref<20480xi32, #tpu.memory_space<hbm>> -> memref<640xi32, #tpu.memory_space<hbm>>
      %dma_start3A_17 = tpu.memref_slice %arg3[%mul3A_2] : memref<20480xi32, #tpu.memory_space<hbm>> -> memref<640xi32, #tpu.memory_space<hbm>>
      tpu.enqueue_dma source(%dma_start3A_17 : memref<640xi32, #tpu.memory_space<hbm>>) target(%arg5 : memref<640xi32, #tpu.memory_space<vmem>>) target_semaphore(%run_scoped3A : memref<!tpu.dma_semaphore, #tpu.memory_space<semaphore_mem>>)
      %dma_wait3A = tpu.memref_slice %arg3[%mul3A_2] : memref<20480xi32, #tpu.memory_space<hbm>> -> memref<640xi32, #tpu.memory_space<hbm>>
      %dma_wait3A_18 = tpu.memref_slice %arg3[%mul3A_2] : memref<20480xi32, #tpu.memory_space<hbm>> -> memref<640xi32, #tpu.memory_space<hbm>>
      tpu.wait_dma2 semaphore(%run_scoped3A : memref<!tpu.dma_semaphore, #tpu.memory_space<semaphore_mem>>) src(%dma_wait3A_18 : memref<640xi32, #tpu.memory_space<hbm>>) dst(%arg5 : memref<640xi32, #tpu.memory_space<vmem>>)
      tpu.yield
    }) : () -> ()
    %dma_start3A = arith.constant 0 : i32
    %dma_start3A_3 = tpu.memref_slice %arg5[%dma_start3A] : memref<640xi32, #tpu.memory_space<vmem>> -> memref<16xi32, #tpu.memory_space<vmem>>
    %dma_start3A_4 = arith.constant 0 : i32
    %dma_start3A_5 = arith.constant 0 : i32
    %dma_start3A_6 = tpu.memref_slice %arg2[%dma_start3A_4, %dma_start3A_5] : memref<64x2048xf32, #tpu.memory_space<hbm>> -> memref<64x2048xf32, #tpu.memory_space<hbm>>
    tpu.enqueue_indirect_dma source(%dma_start3A_6 : memref<64x2048xf32, #tpu.memory_space<hbm>>) target(%arg6 : memref<16x2048xf32, #tpu.memory_space<vmem>>) offsets(%dma_start3A_3 : memref<16xi32, #tpu.memory_space<vmem>>) semaphore(%arg8 : memref<!tpu.dma_semaphore, #tpu.memory_space<semaphore_mem>>)
    %dma_start3A_7 = arith.constant 16 : i32
    %dma_start3A_8 = tpu.memref_slice %arg5[%dma_start3A_7] : memref<640xi32, #tpu.memory_space<vmem>> -> memref<16xi32, #tpu.memory_space<vmem>>
    %dma_start3A_9 = arith.constant 0 : i32
    %dma_start3A_10 = arith.constant 0 : i32
    %dma_start3A_11 = tpu.memref_slice %arg2[%dma_start3A_9, %dma_start3A_10] : memref<64x2048xf32, #tpu.memory_space<hbm>> -> memref<64x2048xf32, #tpu.memory_space<hbm>>
    tpu.enqueue_indirect_dma source(%dma_start3A_11 : memref<64x2048xf32, #tpu.memory_space<hbm>>) target(%arg7 : memref<16x2048xf32, #tpu.memory_space<vmem>>) offsets(%dma_start3A_8 : memref<16xi32, #tpu.memory_space<vmem>>) semaphore(%arg9 : memref<!tpu.dma_semaphore, #tpu.memory_space<semaphore_mem>>)
    %scan3A = arith.constant 0 : i32
    %scan3A_12 = arith.constant 20 : i32
    %scan3A_13 = arith.addi %scan3A, %scan3A_12 : i32
    %scan3A_14 = arith.constant 1 : i32
    scf.for %scan3A_16 = %scan3A to %scan3A_13 step %scan3A_14  : i32 {
      %mul3A_17 = arith.constant 2 : i32
      %mul3A_18 = arith.muli %scan3A_16, %mul3A_17 : i32
      %add3A_19 = arith.constant 0 : i32
      %add3A_20 = arith.addi %add3A_19, %mul3A_18 : i32
      %add3A_21 = arith.constant 0 : i32
      %add3A_22 = arith.addi %add3A_20, %add3A_21 : i32
      %mul3A_23 = arith.constant 16 : i32
      %mul3A_24 = arith.muli %add3A_22, %mul3A_23 : i32
      %dma_wait3A = tpu.memref_slice %arg5[%mul3A_24] : memref<640xi32, #tpu.memory_space<vmem>> -> memref<16xi32, #tpu.memory_space<vmem>>
      %dma_wait3A_25 = arith.constant 0 : i32
      %dma_wait3A_26 = arith.constant 0 : i32
      %dma_wait3A_27 = tpu.memref_slice %arg2[%dma_wait3A_25, %dma_wait3A_26] : memref<64x2048xf32, #tpu.memory_space<hbm>> -> memref<64x2048xf32, #tpu.memory_space<hbm>>
      tpu.wait_indirect_dma semaphore(%arg8 : memref<!tpu.dma_semaphore, #tpu.memory_space<semaphore_mem>>) src(%dma_wait3A_27 : memref<64x2048xf32, #tpu.memory_space<hbm>>) dst(%arg6 : memref<16x2048xf32, #tpu.memory_space<vmem>>)
      %mul3A_28 = arith.constant 16 : i32
      %mul3A_29 = arith.muli %add3A_22, %mul3A_28 : i32
      %add3A_30 = arith.addi %mul3A_2, %mul3A_29 : i32
      "tpu.region"() ({
        %run_scoped3A = tpu.sem_alloc : memref<!tpu.dma_semaphore, #tpu.memory_space<semaphore_mem>>
        %dma_start3A_53 = arith.constant 0 : i32
        %dma_start3A_54 = tpu.memref_slice %arg4[%add3A_30, %dma_start3A_53] : memref<20480x2048xf32, #tpu.memory_space<hbm>> -> memref<16x2048xf32, #tpu.memory_space<hbm>>
        %dma_start3A_55 = arith.constant 0 : i32
        %dma_start3A_56 = tpu.memref_slice %arg4[%add3A_30, %dma_start3A_55] : memref<20480x2048xf32, #tpu.memory_space<hbm>> -> memref<16x2048xf32, #tpu.memory_space<hbm>>
        tpu.enqueue_dma source(%arg6 : memref<16x2048xf32, #tpu.memory_space<vmem>>) target(%dma_start3A_56 : memref<16x2048xf32, #tpu.memory_space<hbm>>) target_semaphore(%run_scoped3A : memref<!tpu.dma_semaphore, #tpu.memory_space<semaphore_mem>>)
        %dma_wait3A_57 = arith.constant 0 : i32
        %dma_wait3A_58 = tpu.memref_slice %arg4[%add3A_30, %dma_wait3A_57] : memref<20480x2048xf32, #tpu.memory_space<hbm>> -> memref<16x2048xf32, #tpu.memory_space<hbm>>
        %dma_wait3A_59 = arith.constant 0 : i32
        %dma_wait3A_60 = tpu.memref_slice %arg4[%add3A_30, %dma_wait3A_59] : memref<20480x2048xf32, #tpu.memory_space<hbm>> -> memref<16x2048xf32, #tpu.memory_space<hbm>>
        tpu.wait_dma2 semaphore(%run_scoped3A : memref<!tpu.dma_semaphore, #tpu.memory_space<semaphore_mem>>) src(%arg6 : memref<16x2048xf32, #tpu.memory_space<vmem>>) dst(%dma_wait3A_60 : memref<16x2048xf32, #tpu.memory_space<hbm>>)
        tpu.yield
      }) : () -> ()
      %add3A_31 = arith.constant 2 : i32
      %add3A_32 = arith.addi %add3A_22, %add3A_31 : i32
      %lt3A = arith.constant 40 : i32
      %lt3A_33 = arith.cmpi slt, %add3A_32, %lt3A : i32
      %convert_element_type3A = arith.extui %lt3A_33 : i1 to i32
      %cond3A = arith.constant 0 : i32
      %cond3A_34 = arith.cmpi ne, %convert_element_type3A, %cond3A : i32
      scf.if %cond3A_34 {
        %add3A_53 = arith.constant 2 : i32
        %add3A_54 = arith.addi %add3A_22, %add3A_53 : i32
        %mul3A_55 = arith.constant 16 : i32
        %mul3A_56 = arith.muli %add3A_54, %mul3A_55 : i32
        %dma_start3A_57 = tpu.memref_slice %arg5[%mul3A_56] : memref<640xi32, #tpu.memory_space<vmem>> -> memref<16xi32, #tpu.memory_space<vmem>>
        %dma_start3A_58 = arith.constant 0 : i32
        %dma_start3A_59 = arith.constant 0 : i32
        %dma_start3A_60 = tpu.memref_slice %arg2[%dma_start3A_58, %dma_start3A_59] : memref<64x2048xf32, #tpu.memory_space<hbm>> -> memref<64x2048xf32, #tpu.memory_space<hbm>>
        tpu.enqueue_indirect_dma source(%dma_start3A_60 : memref<64x2048xf32, #tpu.memory_space<hbm>>) target(%arg6 : memref<16x2048xf32, #tpu.memory_space<vmem>>) offsets(%dma_start3A_57 : memref<16xi32, #tpu.memory_space<vmem>>) semaphore(%arg8 : memref<!tpu.dma_semaphore, #tpu.memory_space<semaphore_mem>>)
      } else {
      }
      %add3A_35 = arith.constant 1 : i32
      %add3A_36 = arith.addi %add3A_20, %add3A_35 : i32
      %mul3A_37 = arith.constant 16 : i32
      %mul3A_38 = arith.muli %add3A_36, %mul3A_37 : i32
      %dma_wait3A_39 = tpu.memref_slice %arg5[%mul3A_38] : memref<640xi32, #tpu.memory_space<vmem>> -> memref<16xi32, #tpu.memory_space<vmem>>
      %dma_wait3A_40 = arith.constant 0 : i32
      %dma_wait3A_41 = arith.constant 0 : i32
      %dma_wait3A_42 = tpu.memref_slice %arg2[%dma_wait3A_40, %dma_wait3A_41] : memref<64x2048xf32, #tpu.memory_space<hbm>> -> memref<64x2048xf32, #tpu.memory_space<hbm>>
      tpu.wait_indirect_dma semaphore(%arg9 : memref<!tpu.dma_semaphore, #tpu.memory_space<semaphore_mem>>) src(%dma_wait3A_42 : memref<64x2048xf32, #tpu.memory_space<hbm>>) dst(%arg7 : memref<16x2048xf32, #tpu.memory_space<vmem>>)
      %mul3A_43 = arith.constant 16 : i32
      %mul3A_44 = arith.muli %add3A_36, %mul3A_43 : i32
      %add3A_45 = arith.addi %mul3A_2, %mul3A_44 : i32
      "tpu.region"() ({
        %run_scoped3A = tpu.sem_alloc : memref<!tpu.dma_semaphore, #tpu.memory_space<semaphore_mem>>
        %dma_start3A_53 = arith.constant 0 : i32
        %dma_start3A_54 = tpu.memref_slice %arg4[%add3A_45, %dma_start3A_53] : memref<20480x2048xf32, #tpu.memory_space<hbm>> -> memref<16x2048xf32, #tpu.memory_space<hbm>>
        %dma_start3A_55 = arith.constant 0 : i32
        %dma_start3A_56 = tpu.memref_slice %arg4[%add3A_45, %dma_start3A_55] : memref<20480x2048xf32, #tpu.memory_space<hbm>> -> memref<16x2048xf32, #tpu.memory_space<hbm>>
        tpu.enqueue_dma source(%arg7 : memref<16x2048xf32, #tpu.memory_space<vmem>>) target(%dma_start3A_56 : memref<16x2048xf32, #tpu.memory_space<hbm>>) target_semaphore(%run_scoped3A : memref<!tpu.dma_semaphore, #tpu.memory_space<semaphore_mem>>)
        %dma_wait3A_57 = arith.constant 0 : i32
        %dma_wait3A_58 = tpu.memref_slice %arg4[%add3A_45, %dma_wait3A_57] : memref<20480x2048xf32, #tpu.memory_space<hbm>> -> memref<16x2048xf32, #tpu.memory_space<hbm>>
        %dma_wait3A_59 = arith.constant 0 : i32
        %dma_wait3A_60 = tpu.memref_slice %arg4[%add3A_45, %dma_wait3A_59] : memref<20480x2048xf32, #tpu.memory_space<hbm>> -> memref<16x2048xf32, #tpu.memory_space<hbm>>
        tpu.wait_dma2 semaphore(%run_scoped3A : memref<!tpu.dma_semaphore, #tpu.memory_space<semaphore_mem>>) src(%arg7 : memref<16x2048xf32, #tpu.memory_space<vmem>>) dst(%dma_wait3A_60 : memref<16x2048xf32, #tpu.memory_space<hbm>>)
        tpu.yield
      }) : () -> ()
      %add3A_46 = arith.constant 2 : i32
      %add3A_47 = arith.addi %add3A_36, %add3A_46 : i32
      %lt3A_48 = arith.constant 40 : i32
      %lt3A_49 = arith.cmpi slt, %add3A_47, %lt3A_48 : i32
      %convert_element_type3A_50 = arith.extui %lt3A_49 : i1 to i32
      %cond3A_51 = arith.constant 0 : i32
      %cond3A_52 = arith.cmpi ne, %convert_element_type3A_50, %cond3A_51 : i32
      scf.if %cond3A_52 {
        %add3A_53 = arith.constant 2 : i32
        %add3A_54 = arith.addi %add3A_36, %add3A_53 : i32
        %mul3A_55 = arith.constant 16 : i32
        %mul3A_56 = arith.muli %add3A_54, %mul3A_55 : i32
        %dma_start3A_57 = tpu.memref_slice %arg5[%mul3A_56] : memref<640xi32, #tpu.memory_space<vmem>> -> memref<16xi32, #tpu.memory_space<vmem>>
        %dma_start3A_58 = arith.constant 0 : i32
        %dma_start3A_59 = arith.constant 0 : i32
        %dma_start3A_60 = tpu.memref_slice %arg2[%dma_start3A_58, %dma_start3A_59] : memref<64x2048xf32, #tpu.memory_space<hbm>> -> memref<64x2048xf32, #tpu.memory_space<hbm>>
        tpu.enqueue_indirect_dma source(%dma_start3A_60 : memref<64x2048xf32, #tpu.memory_space<hbm>>) target(%arg7 : memref<16x2048xf32, #tpu.memory_space<vmem>>) offsets(%dma_start3A_57 : memref<16xi32, #tpu.memory_space<vmem>>) semaphore(%arg9 : memref<!tpu.dma_semaphore, #tpu.memory_space<semaphore_mem>>)
      } else {
      }
    }
    %scan3A_15 = arith.constant 20 : i32
    return
  }
}

</mosaic_0001>

<sc_bundles>
// kernel: kernel.3.cloned.1.call-start
scs
__scs_entry_jumppad:
0x0: {  	(pc) =	sbr.rel $0x88, $3  }
0x1: {  	(tag) =	ssettag $0x0;
	lr =	simm.s32 $0x1  }
0x2: {  	[smem:$0x3F9F] =	sst lr;
	_ =	strace $0xD0000000  }
0x3: {  	_ = 	snop  }
0x4: {  	_ = 	snop  }
0x5: {  	_ = 	snop  }
0x6: {  	_ = 	snop  }
0x7: {  	_ = 	snop  }
__scs_overlays_trampoline_lowered:
0x8: {  	[smem:$0x3FAE] =	sst s0  }
0x9: {  	[smem:$0x3FAF] =	sst s1  }
0xa: {  	[smem:$0x3FB0] =	sst s2  }
0xb: {  	[smem:$0x3FB1] =	sst s3  }
0xc: {  	[smem:$0x3FB2] =	sst s4  }
0xd: {  	[smem:$0x3FB3] =	sst s5  }
0xe: {  	[smem:$0x3FB4] =	sst s6  }
0xf: {  	[smem:$0x3FB5] =	sst s7  }
0x10: {  	[smem:$0x3FB6] =	sst s8  }
0x11: {  	[smem:$0x3FB7] =	sst s9;
	s0 =	simm.s32 @!p0 $0x0  }
0x12: {  	s1 =	sld [smem:$0x3F9D];
	s0 =	simm.s32 @p0 $0x1  }
0x13: {  	[smem:$0x3FB8] =	sst s0;
	s0 =	simm.s32 @!p1 $0x0  }
0x14: {  	s2 =	sld [smem:$0x3F9C];
	s0 =	simm.s32 @p1 $0x1  }
0x15: {  	[smem:$0x3FB9] =	sst s0;
	s0 =	simm.s32 @!p2 $0x0  }
0x16: {  	s3 =	sld [smem:$0x3FDB];
	s0 =	simm.s32 @p2 $0x1  }
0x17: {  	s4 =	simm.s32 $0x1BF5;
	[smem:$0x3FBB] =	sst s0  }
0x18: {  	s0 =	sld [smem:$0x3F9E];
	_ =	swait.ge [sflag:s4], $0x0  }
0x19: {  	s7 =	sld [smem:$0x3F9F]  }
0x1a: {  	s8 =	sadd.s32 $0xFFFFE003, lr  }
0x1b: {  	s9 =	sadd.s32 $0xFFFFFEF7, lr;
	s5 =	simm.s32 $0xFFFFFFFF;
	p2 =	slt.u32 s8, $0xFFFFF086  }
0x1c: {  	p1 =	slt.u32 s9, $0xF7A;
	s5 =	simm.s32 @!p2 $0x0  }
0x1d: {  	s5 =	simm.s32 @p1 $0x1;
	p0 =	seq.s32 s7, s2  }
0x1e: {  	s7 =	smul.u32 @!p0 $0xF7A, s2;
	p2 =	seq.s32 @!p0 s5, $0x0  }
0x1f: {  	s9 =	smul.u32 $0xF7A, s1;
	s8 =	simm.s32 @!p0 $0x1BF5;
	p2 =	por !p2, p0  }
0x20: {  	[sflag:s8] =	ssyncset.s32 @!p0 $0xFFFFF086;
	s6 =	sadd.s32 @!p0 s3, s7;
	s7 =	simm.s32 @!p0 $0x108  }
0x21: {  	s3 =	sadd.s32 s3, s9;
	s6 =	sadd.s32 @!p0 $0x88, s6;
	s7 =	simm.s32 @p2 $0x1082  }
0x22: {  	[simem:s7], [sflag:s8] =	dma.local @!p0 [hbm:s6], $0xF7A  }
0x23: {  	s9 =	sor.u32 $0xD0000000, s2;
	s6 =	simm.s32 $0x108;
	_ =	swait.ge @!p0 [sflag:s8], $0x0  }
0x24: {  	s3 =	sadd.s32 $0x88, s3;
	s6 =	simm.s32 @!p1 $0x1082;
	[sflag:s4] =	ssyncset.s32 $0xFFFFF086  }
0x25: {  	[simem:s6], [sflag:s4] =	dma.local [hbm:s3], $0xF7A  }
0x26: {  	[smem:$0x3F9F] =	sst s1;
	(tag) =	ssettag s2;
	_ =	strace s9  }
0x27: {  	s1 =	sld [smem:$0x3FAF]  }
0x28: {  	s2 =	sld [smem:$0x3FB0]  }
0x29: {  	s4 =	sld [smem:$0x3FB2]  }
0x2a: {  	p0 =	seq.s32 s5, $0x0;
	s5 =	sld [smem:$0x3FB3]  }
0x2b: {  	s6 =	sld [smem:$0x3FB4]  }
0x2c: {  	s7 =	sld [smem:$0x3FB5]  }
0x2d: {  	s3 =	simm.s32 $0x108;
	s8 =	sld [smem:$0x3FB6]  }
0x2e: {  	s3 =	simm.s32 @!p0 $0x1082;
	s9 =	sld [smem:$0x3FB7]  }
0x2f: {  	lr =	sadd.s32 s0, s3;
	s0 =	sld [smem:$0x3FAE]  }
0x30: {  	s3 =	sld [smem:$0x3FB1]  }
0x31: {  	[smem:$0x3FBA] =	sst s10  }
0x32: {  	s10 =	sld [smem:$0x3FB8];
	_ =	sdelay $0x3  }
0x33: {  	p0 =	seq.s32 s10, $0x1;
	s10 =	sld [smem:$0x3FBA];
	_ =	sdelay $0x3  }
0x34: {  	[smem:$0x3FBA] =	sst s10  }
0x35: {  	s10 =	sld [smem:$0x3FB9];
	_ =	sdelay $0x3  }
0x36: {  	p1 =	seq.s32 s10, $0x1;
	s10 =	sld [smem:$0x3FBA];
	_ =	sdelay $0x3  }
0x37: {  	[smem:$0x3FBA] =	sst s10  }
0x38: {  	s10 =	sld [smem:$0x3FBB]  }
0x39: {  	_ = 	snop;
	(pc) =	sbr.ind lr, $3  }
0x3a: {  	_ = 	snop  }
0x3b: {  	_ = 	snop  }
0x3c: {  	p2 =	seq.s32 s10, $0x1;
	s10 =	sld [smem:$0x3FBA]  }
0x3d: {  	_ =	shalt  }
0x3e: {  	_ =	shalt  }
0x3f: {  	_ =	shalt  }
0x40: {  	_ =	shalt  }
0x41: {  	_ =	shalt  }
0x42: {  	_ =	shalt  }
0x43: {  	_ =	shalt  }
0x44: {  	_ =	shalt  }
0x45: {  	_ =	shalt  }
0x46: {  	_ =	shalt  }
0x47: {  	_ =	shalt  }
0x48: {  	_ =	shalt  }
0x49: {  	_ =	shalt  }
0x4a: {  	_ =	shalt  }
0x4b: {  	_ =	shalt  }
0x4c: {  	_ =	shalt  }
0x4d: {  	_ =	shalt  }
0x4e: {  	_ =	shalt  }
0x4f: {  	_ =	shalt  }
0x50: {  	_ =	shalt  }
0x51: {  	_ =	shalt  }
0x52: {  	_ =	shalt  }
0x53: {  	_ =	shalt  }
0x54: {  	_ =	shalt  }
0x55: {  	_ =	shalt  }
0x56: {  	_ =	shalt  }
0x57: {  	_ =	shalt  }
0x58: {  	_ =	shalt  }
0x59: {  	_ =	shalt  }
0x5a: {  	_ =	shalt  }
0x5b: {  	_ =	shalt  }
0x5c: {  	_ =	shalt  }
0x5d: {  	_ =	shalt  }
0x5e: {  	_ =	shalt  }
0x5f: {  	_ =	shalt  }
0x60: {  	_ =	shalt  }
0x61: {  	_ =	shalt  }
0x62: {  	_ =	shalt  }
0x63: {  	_ =	shalt  }
0x64: {  	_ =	shalt  }
0x65: {  	_ =	shalt  }
0x66: {  	_ =	shalt  }
0x67: {  	_ =	shalt  }
0x68: {  	_ =	shalt  }
0x69: {  	_ =	shalt  }
0x6a: {  	_ =	shalt  }
0x6b: {  	_ =	shalt  }
0x6c: {  	_ =	shalt  }
0x6d: {  	_ =	shalt  }
0x6e: {  	_ =	shalt  }
0x6f: {  	_ =	shalt  }
0x70: {  	_ =	shalt  }
0x71: {  	_ =	shalt  }
0x72: {  	_ =	shalt  }
0x73: {  	_ =	shalt  }
0x74: {  	_ =	shalt  }
0x75: {  	_ =	shalt  }
0x76: {  	_ =	shalt  }
0x77: {  	_ =	shalt  }
0x78: {  	_ =	shalt  }
0x79: {  	_ =	shalt  }
0x7a: {  	_ =	shalt  }
0x7b: {  	_ =	shalt  }
0x7c: {  	_ =	shalt  }
0x7d: {  	_ =	shalt  }
0x7e: {  	_ =	shalt  }
0x7f: {  	_ =	shalt  }
0x80: {  	_ =	shalt  }
0x81: {  	_ =	shalt  }
0x82: {  	_ =	shalt  }
0x83: {  	_ =	shalt  }
0x84: {  	_ =	shalt  }
0x85: {  	_ =	shalt  }
0x86: {  	_ =	shalt  }
0x87: {  	_ =	shalt  }
.Lfunc_end0:
.L_simem_size_0:
called_computation_lowered:
.L_overlay_start_0:
0x88: {  	s2 =	sld [smem:$0x3FD9]  }
0x89: {  	s3 =	sld [smem:$0x3FFE];
	_ =	sdelay $0x1  }
0x8a: {  	s1 =	srdreg.scid  }
0x8b: {  	s0 =	sand.u32 $0x1, s1  }
0x8c: {  	s17 =	sshll.u32 s0, $0xA;
	s2 =	sadd.s32 s3, s2  }
0x8d: {  	s2 =	sadd.s32 s2, s17  }
0x8e: {  	[smem:$0x3FC6] =	sst s2  }
0x8f: {  	_ = 	snop  }
0x90: {  	s2 =	sld [smem:$0x3FC8]  }
0x91: {  	s18 =	sld [smem:$0x3FD0];
	(tm) =	ssettm $0x1  }
0x92: {  	s4 =	sld [smem:$0x3FFB];
	_ =	sdelay $0x3  }
0x93: {  	_ =	strace s4  }
0x94: {  	s4 =	sld [smem:$0x3FFC];
	_ =	sdelay $0x3  }
0x95: {  	_ =	strace s4  }
0x96: {  	s4 =	sld [smem:$0x3FFD];
	_ =	sdelay $0x3  }
0x97: {  	_ =	strace s4  }
0x98: {  	_ =	strace $0x8FFFFFFF  }
0x99: {  	s19 =	sld [smem:$0x3FDB];
	_ =	sdelay $0x1  }
0x9a: {  	s5 =	simm.s32 $_scs_section_size  }
0x9b: {  	s6 =	simm.s32 $_size__tile_overlayer_lowered;
	s7 =	simm.s32 $_tile_overlayer_lowered  }
0x9c: {  	s22 =	simm.s32 $0x1BFF;
	s21 =	sshll.u32 s7, $0x1;
	s4 =	sadd.s32 s5, s19  }
0x9d: {  	s8 =	simm.s32 $0x0;
	s20 =	sshll.u32 s6, $0x1;
	s6 =	sadd.s32 s21, s4  }
0x9e: {  	[timem:s8], [sflag:s22] =	dma.local [hbm:s6], s20  }
0x9f: {  	_ =	swait.ge [sflag:s22], s20  }
0xa0: {  	s5 =	ssub.s32 $0x0, s20;
	[sflag:s22] =	ssyncset.done $0x0  }
0xa1: {  	[sflag:s22] =	ssyncadd.s32 s5;
	_ =	sdelay $0x1  }
0xa2: {  	s23 =	simm.s32 $0x1B8B  }
0xa3: {  	_ =	swait.ge [sflag:s23], $0x1  }
0xa4: {  	[sflag:s23] =	ssyncset.done $0x0  }
0xa5: {  	s25 =	simm.s32 $0x1B8E;
	s24 =	sld [smem:$0x3FFE];
	[sflag:s23] =	ssyncadd.s32 $0xFFFFFFFF  }
0xa6: {  	s26 =	simm.s32 $execute0_lowered;
	[smem:$0x3FD2] =	sst s25  }
0xa7: {  	s6 =	sshll.u32 s26, $0x1;
	_ =	strace $0x80000046;
	[dreg:$0x1] =	wrdreg $0xFFFFFFFF  }
0xa8: {  	s28 =	simm.s32 $_size_execute0_lowered;
	s4 =	sadd.s32 s4, s6;
	[dreg:$0x0] =	wrdreg $0x0  }
0xa9: {  	s6 =	sshll.u32 s28, $0x1;
	[dreg:$0x2] =	wrdreg s4  }
0xaa: {  	[dreg:$0x3] =	wrdreg s6  }
0xab: {  	[dreg:$0x4] =	wrdreg $0xC0  }
0xac: {  	_ =	task [dreg:s8], $0x5FFFF  }
0xad: {  	[dreg:$0x1] =	wrdreg $0xFFFFFFFF  }
0xae: {  	[dreg:$0x0] =	wrdreg $0x60  }
0xaf: {  	[dreg:$0x2] =	wrdreg s2  }
0xb0: {  	[dreg:$0x3] =	wrdreg s24  }
0xb1: {  	[dreg:$0x4] =	wrdreg s18  }
0xb2: {  	[dreg:$0x5] =	wrdreg $0x9  }
0xb3: {  	_ =	task.clear_ibuf [dreg:s8], $0x6FFFF;
	_ =	strace $0x90000046  }
0xb4: {  	s29 =	simm.s32 $0x9;
	_ =	strace $0x80000048  }
0xb5: {  	_ =	swait.ge [sflag:s29], $0x1  }
0xb6: {  	[sflag:s29] =	ssyncadd.s32 $0xFFFFFFFF  }
0xb7: {  	_ =	strace $0x90000048  }
0xb8: {  	_ =	sfence  }
0xb9: {  	s30 =	sld [smem:$0x0];
	_ =	sdelay $0x2  }
0xba: {  	s31 =	sshll.u32 s1, $0xD;
	s1 =	sshrl.u32 s1, $0x2  }
0xbb: {  	s3 =	sand.u32 $0x4000, s31;
	s1 =	sadd.s32 s1, s30  }
0xbc: {  	s0 =	sor.u32 s3, s0;
	s1 =	sshll.u32 s1, $0x11  }
0xbd: {  	s0 =	sor.u32 s1, s0  }
0xbe: {  	s0 =	sadd.s32 $0x8F2B, s0  }
0xbf: {  	[sflag:s0] =	ssyncadd.remote.s32 $0x1  }
0xc0: {  	_ =	sfence.sel $0xFFFF  }
0xc1: {  	[dreg:$0x0] =	wrdreg $0xFFFFFFFF;
	(pc) =	sbr.abs _section_cstart, $3  }
0xc2: {  	[dreg:$0x1] =	wrdreg $0xFFFFFFFF  }
0xc3: {  	_ =	task.clear_ibuf [dreg:s8], $0x2FFFF;
	_ =	strace $0x9FFFFFFF  }
0xc4: {  	(tm) =	ssettm $0x7FFFFFFF  }
0xc5: {  	_ =	shalt  }
tec
execute0_lowered:
.L_overlay_start_1:
0x0: {  	(tag) =	ssettag $0x1  }
0x1: {  	s1 =	rddreg [dreg:$0x0]  }
0x2: {  	s0 =	rddreg [dreg:$0x1]  }
0x3: {  	s2 =	srdreg.scid;
	s8 =	stileid.u32  }
0x4: {  	s4 =	rddreg [dreg:$0x2];
	s3 =	simm.s32 $0x0;
	s15 =	simm.s32 $0x3  }
0x5: {  	s20 =	simm.s32 $0xA280;
	s21 =	simm.s32 $0xAA80;
	s22 =	simm.s32 $0xB280  }
0x6: {  	s23 =	simm.s32 $0xBA80;
	s24 =	simm.s32 $0xC280;
	s25 =	simm.s32 $0xCA80  }
0x7: {  	s28 =	simm.s32 $0xDA80;
	s29 =	simm.s32 $0xE280;
	s30 =	simm.s32 $0xEA80  }
0x8: {  	s31 =	simm.s32 $0xF280;
	s17 =	simm.s32 $0x0;
	s2 =	sand.u32 $0x1, s2  }
0x9: {  	s5 =	sshll.u32 s8, $0x1;
	[smem:$0x7FF] =	sst s3;
	s11 =	smul.u32 $0x50000, s8  }
0xa: {  	s26 =	smul.u32 $0x280000, s8;
	s8 =	sadd.s32 $0x400, s1;
	s9 =	sadd.s32 $0x500, s1  }
0xb: {  	s10 =	sadd.s32 $0x600, s1;
	s5 =	sor.u32 s2, s5;
	s13 =	smul.u32 $0x140000, s2  }
0xc: {  	s6 =	ssub.s32 $0x2, s2;
	_ =	strace $0x80000047;
	s2 =	smul.u32 $0x28000, s2  }
0xd: {  	s5 =	smul.u32 $0x50, s5;
	s7 =	sshrl.u32 s6, $0x1;
	s14 =	sadd.s32 s11, s4  }
0xe: {  	s11 =	sadd.s32 $0x700, s1;
	s12 =	ssub.s32 s6, s7;
	s6 =	sadd.s32 $0x200, s1  }
0xf: {  	s7 =	sadd.s32 $0x300, s1;
	s2 =	sadd.s32 s2, s14;
	s0 =	sadd.s32 s5, s0  }
.Ltmp0:
0x10: {  	s5 =	sadd.s32 $0x100, s1;
	s12 =	smax.u32 s12, $0x1;
	(pc) =	sbr.rel .LBB2_1-.Ltmp0, $4  }
0x11: {  	s0 =	sadd.s32 $0x400, s0;
	[dreg:$0x5] =	wrdreg s12;
	s12 =	simm.s32 $0x2  }
0x12: {  	v2 =	vlaneseq.u32;
	[dreg:$0x4] =	wrdreg s0;
	s0 =	sadd.s32 s13, s26;
	s13 =	sadd.s32 $0x1000, s2  }
0x13: {  	vm0 =	vmmov $0xffff;
	v1 =	vshrl.u32 v2, $0x3;
	s26 =	simm.s32 $0xD280;
	s2 =	simm.s32 $0xFA80;
	s0 =	sshrl.u32 s0, $0x3  }
0x14: {  	v0 =	vand.u32 $0x7, v2;
	v2 =	vor.u32 $0x8, v2;
	v1 =	vmul.u32 $0x8, v1;
	s14 =	sadd.s32 s0, s4;
	s0 =	simm.s32 $0x8280;
	s4 =	simm.s32 $0x1  }
.LBB2_4:
0x15: {  	s17 =	rddreg [dreg:$0x6]  }
0x16: {  	s16 =	rddreg [dreg:$0x5];
	s17 =	sadd.s32 $0x1, s17  }
0x17: {  	p0 =	sne.s32 s17, s16  }
.Ltmp1:
0x18: {  	_ = 	snop;
	(pc) =	sbr.rel @!p0 .LBB2_5-.Ltmp1, $1  }
0x19: {  	_ =	sdelay $0x3  }
.LBB2_1:
0x1a: {  	[dreg:$0x6] =	wrdreg s17  }
0x1b: {  	s16 =	rddreg [dreg:$0x4]  }
0x1c: {  	[tilespmem:s3], [sflag:$0x3] =	stream.linear.gather [hbm4b:s16+s3], $0x280, $0x38;
	[tilespmem:$0x10280] =	vst v63  }
0x1d: {  	_ =	swait.ge [sflag:s15], $0x280  }
0x1e: {  	[sflag:s15] =	ssyncset.done $0x0  }
0x1f: {  	[sflag:s15] =	ssyncadd.s32 $0xFFFFFD80  }
0x20: {  	v3 =	vld [tilespmem:$0x0];
	_ =	sdelay $0x4  }
0x21: {  	v4 =	vshll.u32 v3, $0x4  }
0x22: {  	v3 =	vand.u32 $0x7, v3;
	v4 =	vand.u32 $0xFFFFFF80, v4  }
0x23: {  	v3 =	vor.u32 v3, v4  }
0x24: {  	v4 =	vperm.xlane v3, v0;
	_ =	sdelay $0x1  }
0x25: {  	v4 =	vadd.s32 v1, v4;
	_ =	sdelay $0x3  }
0x26: {  	s19 =	simm.s32 $0x280  }
0x27: {  	[tilespmem:s19], [sflag:$0x1] =	stream.indirect_vreg.gather [hbm4b:s1+s3], $0x80, v4, vm0, $0xb8;
	[tilespmem:$0x10280] =	vst v63  }
0x28: {  	s17 =	simm.s32 $0xA80  }
0x29: {  	[tilespmem:s17], [sflag:$0x1] =	stream.indirect_vreg.gather [hbm4b:s5+s3], $0x80, v4, vm0, $0xb8;
	[tilespmem:$0x10280] =	vst v63  }
0x2a: {  	s18 =	simm.s32 $0x1280  }
0x2b: {  	[tilespmem:s18], [sflag:$0x1] =	stream.indirect_vreg.gather [hbm4b:s6+s3], $0x80, v4, vm0, $0xb8;
	[tilespmem:$0x10280] =	vst v63  }
0x2c: {  	s19 =	simm.s32 $0x1A80  }
0x2d: {  	[tilespmem:s19], [sflag:$0x1] =	stream.indirect_vreg.gather [hbm4b:s7+s3], $0x80, v4, vm0, $0xb8;
	[tilespmem:$0x10280] =	vst v63  }
0x2e: {  	s17 =	simm.s32 $0x2280  }
0x2f: {  	[tilespmem:s17], [sflag:$0x1] =	stream.indirect_vreg.gather [hbm4b:s8+s3], $0x80, v4, vm0, $0xb8;
	[tilespmem:$0x10280] =	vst v63  }
0x30: {  	v3 =	vperm.xlane v3, v2;
	s18 =	simm.s32 $0x2A80  }
0x31: {  	[tilespmem:s18], [sflag:$0x1] =	stream.indirect_vreg.gather [hbm4b:s9+s3], $0x80, v4, vm0, $0xb8;
	[tilespmem:$0x10280] =	vst v63  }
0x32: {  	v3 =	vadd.s32 v1, v3;
	s19 =	simm.s32 $0x3280  }
0x33: {  	[tilespmem:s19], [sflag:$0x1] =	stream.indirect_vreg.gather [hbm4b:s10+s3], $0x80, v4, vm0, $0xb8;
	[tilespmem:$0x10280] =	vst v63  }
0x34: {  	s17 =	simm.s32 $0x3A80  }
0x35: {  	[tilespmem:s17], [sflag:$0x1] =	stream.indirect_vreg.gather [hbm4b:s11+s3], $0x80, v4, vm0, $0xb8;
	[tilespmem:$0x10280] =	vst v63  }
0x36: {  	s18 =	simm.s32 $0x4280  }
0x37: {  	[tilespmem:s18], [sflag:$0x1] =	stream.indirect_vreg.gather [hbm4b:s1+s3], $0x80, v3, vm0, $0xb8;
	[tilespmem:$0x10280] =	vst v63  }
0x38: {  	s19 =	simm.s32 $0x4A80  }
0x39: {  	[tilespmem:s19], [sflag:$0x1] =	stream.indirect_vreg.gather [hbm4b:s5+s3], $0x80, v3, vm0, $0xb8;
	[tilespmem:$0x10280] =	vst v63  }
0x3a: {  	s17 =	simm.s32 $0x5280  }
0x3b: {  	[tilespmem:s17], [sflag:$0x1] =	stream.indirect_vreg.gather [hbm4b:s6+s3], $0x80, v3, vm0, $0xb8;
	[tilespmem:$0x10280] =	vst v63  }
0x3c: {  	s18 =	simm.s32 $0x5A80  }
0x3d: {  	[tilespmem:s18], [sflag:$0x1] =	stream.indirect_vreg.gather [hbm4b:s7+s3], $0x80, v3, vm0, $0xb8;
	[tilespmem:$0x10280] =	vst v63  }
0x3e: {  	s19 =	simm.s32 $0x6280  }
0x3f: {  	[tilespmem:s19], [sflag:$0x1] =	stream.indirect_vreg.gather [hbm4b:s8+s3], $0x80, v3, vm0, $0xb8;
	[tilespmem:$0x10280] =	vst v63  }
0x40: {  	s17 =	simm.s32 $0x6A80  }
0x41: {  	[tilespmem:s17], [sflag:$0x1] =	stream.indirect_vreg.gather [hbm4b:s9+s3], $0x80, v3, vm0, $0xb8;
	[tilespmem:$0x10280] =	vst v63  }
0x42: {  	s18 =	simm.s32 $0x7280  }
0x43: {  	[tilespmem:s18], [sflag:$0x1] =	stream.indirect_vreg.gather [hbm4b:s10+s3], $0x80, v3, vm0, $0xb8;
	[tilespmem:$0x10280] =	vst v63  }
0x44: {  	s19 =	simm.s32 $0x7A80  }
0x45: {  	[tilespmem:s19], [sflag:$0x1] =	stream.indirect_vreg.gather [hbm4b:s11+s3], $0x80, v3, vm0, $0xb8;
	[tilespmem:$0x10280] =	vst v63  }
0x46: {  	v3 =	vld [tilespmem:$0x10];
	_ =	sdelay $0x4  }
0x47: {  	v63 =	vshll.u32 v3, $0x4  }
0x48: {  	v3 =	vand.u32 $0x7, v3;
	v4 =	vand.u32 $0xFFFFFF80, v63  }
0x49: {  	v3 =	vor.u32 v3, v4  }
0x4a: {  	v4 =	vperm.xlane v3, v0;
	_ =	sdelay $0x1  }
0x4b: {  	v4 =	vadd.s32 v1, v4;
	_ =	sdelay $0x4  }
0x4c: {  	[tilespmem:s0], [sflag:$0x2] =	stream.indirect_vreg.gather [hbm4b:s1+s3], $0x80, v4, vm0, $0xb8;
	[tilespmem:$0x10280] =	vst v63  }
0x4d: {  	s17 =	simm.s32 $0x8A80  }
0x4e: {  	[tilespmem:s17], [sflag:$0x2] =	stream.indirect_vreg.gather [hbm4b:s5+s3], $0x80, v4, vm0, $0xb8;
	[tilespmem:$0x10280] =	vst v63  }
0x4f: {  	s18 =	simm.s32 $0x9280  }
0x50: {  	[tilespmem:s18], [sflag:$0x2] =	stream.indirect_vreg.gather [hbm4b:s6+s3], $0x80, v4, vm0, $0xb8;
	[tilespmem:$0x10280] =	vst v63  }
0x51: {  	s19 =	simm.s32 $0x9A80  }
0x52: {  	[tilespmem:s19], [sflag:$0x2] =	stream.indirect_vreg.gather [hbm4b:s7+s3], $0x80, v4, vm0, $0xb8;
	[tilespmem:$0x10280] =	vst v63  }
0x53: {  	_ = 	snop  }
0x54: {  	[tilespmem:s20], [sflag:$0x2] =	stream.indirect_vreg.gather [hbm4b:s8+s3], $0x80, v4, vm0, $0xb8;
	[tilespmem:$0x10280] =	vst v63  }
0x55: {  	v3 =	vperm.xlane v3, v2  }
0x56: {  	[tilespmem:s21], [sflag:$0x2] =	stream.indirect_vreg.gather [hbm4b:s9+s3], $0x80, v4, vm0, $0xb8;
	[tilespmem:$0x10280] =	vst v63  }
0x57: {  	v3 =	vadd.s32 v1, v3  }
0x58: {  	[tilespmem:s22], [sflag:$0x2] =	stream.indirect_vreg.gather [hbm4b:s10+s3], $0x80, v4, vm0, $0xb8;
	[tilespmem:$0x10280] =	vst v63  }
0x59: {  	_ = 	snop  }
0x5a: {  	[tilespmem:s23], [sflag:$0x2] =	stream.indirect_vreg.gather [hbm4b:s11+s3], $0x80, v4, vm0, $0xb8;
	[tilespmem:$0x10280] =	vst v63  }
0x5b: {  	_ = 	snop  }
0x5c: {  	[tilespmem:s24], [sflag:$0x2] =	stream.indirect_vreg.gather [hbm4b:s1+s3], $0x80, v3, vm0, $0xb8;
	[tilespmem:$0x10280] =	vst v63  }
0x5d: {  	_ = 	snop  }
0x5e: {  	[tilespmem:s25], [sflag:$0x2] =	stream.indirect_vreg.gather [hbm4b:s5+s3], $0x80, v3, vm0, $0xb8;
	[tilespmem:$0x10280] =	vst v63  }
0x5f: {  	_ = 	snop  }
0x60: {  	[tilespmem:s26], [sflag:$0x2] =	stream.indirect_vreg.gather [hbm4b:s6+s3], $0x80, v3, vm0, $0xb8;
	[tilespmem:$0x10280] =	vst v63  }
0x61: {  	_ = 	snop  }
0x62: {  	[tilespmem:s28], [sflag:$0x2] =	stream.indirect_vreg.gather [hbm4b:s7+s3], $0x80, v3, vm0, $0xb8;
	[tilespmem:$0x10280] =	vst v63  }
0x63: {  	_ = 	snop  }
0x64: {  	[tilespmem:s29], [sflag:$0x2] =	stream.indirect_vreg.gather [hbm4b:s8+s3], $0x80, v3, vm0, $0xb8;
	[tilespmem:$0x10280] =	vst v63  }
0x65: {  	_ = 	snop  }
0x66: {  	[tilespmem:s30], [sflag:$0x2] =	stream.indirect_vreg.gather [hbm4b:s9+s3], $0x80, v3, vm0, $0xb8;
	[tilespmem:$0x10280] =	vst v63  }
0x67: {  	_ = 	snop  }
0x68: {  	[tilespmem:s31], [sflag:$0x2] =	stream.indirect_vreg.gather [hbm4b:s10+s3], $0x80, v3, vm0, $0xb8;
	[tilespmem:$0x10280] =	vst v63  }
0x69: {  	s16 =	simm.s32 $0x30;
	s17 =	simm.s32 $0x0  }
0x6a: {  	[tilespmem:s2], [sflag:$0x2] =	stream.indirect_vreg.gather [hbm4b:s11+s3], $0x80, v3, vm0, $0xb8;
	[tilespmem:$0x10280] =	vst v63  }
.LBB2_2:
0x6b: {  	_ =	swait.ge [sflag:s4], $0x8000  }
0x6c: {  	[sflag:s4] =	ssyncset.done $0x0  }
0x6d: {  	s18 =	sadd.s32 s17, s14;
	s19 =	simm.s32 $0x280;
	[sflag:s4] =	ssyncadd.s32 $0xFFFF8000  }
0x6e: {  	[hbm4b:s18+s3] =	stream.linear.scatter [tilespmem:s19], [sflag:$0x3], $0x8000, $0x38;
	[tilespmem:$0x10280] =	vst v63  }
0x6f: {  	_ =	swait.ge [sflag:s15], $0x8000  }
0x70: {  	[sflag:s15] =	ssyncset.done $0x0  }
0x71: {  	p0 =	seq.s32 s17, $0x26000;
	[sflag:s15] =	ssyncadd.s32 $0xFFFF8000  }
0x72: {  	v3 =	vld @!p0 [tilespmem:s16+$0xFFFFFFF0];
	_ =	sdelay $0x4  }
0x73: {  	v4 =	vshll.u32 @!p0 v3, $0x4  }
0x74: {  	v5 =	vlaneseq.u32 @!p0;
	v3 =	vand.u32 @!p0 $0x7, v3;
	v4 =	vand.u32 @!p0 $0xFFFFFF80, v4  }
0x75: {  	v6 =	vshrl.u32 @!p0 v5, $0x3;
	v3 =	vor.u32 @!p0 v3, v4;
	v4 =	vand.u32 @!p0 $0x7, v5  }
0x76: {  	v6 =	vmul.u32 @!p0 $0x8, v6;
	v4 =	vperm.xlane @!p0 v3, v4;
	_ =	sdelay $0x1  }
0x77: {  	v4 =	vadd.s32 @!p0 v6, v4;
	_ =	sdelay $0x3  }
0x78: {  	vm1 =	vmmov @!p0 $0xffff;
	s18 =	simm.s32 @!p0 $0x0;
	s19 =	simm.s32 @!p0 $0x280  }
0x79: {  	[tilespmem:s19], [sflag:$0x1] =	stream.indirect_vreg.gather @!p0 [hbm4b:s1+s18], $0x80, v4, vm1, $0xb8;
	[tilespmem:$0x10280] =	vst v63  }
0x7a: {  	s19 =	simm.s32 @!p0 $0xA80  }
0x7b: {  	[tilespmem:s19], [sflag:$0x1] =	stream.indirect_vreg.gather @!p0 [hbm4b:s5+s18], $0x80, v4, vm1, $0xb8;
	[tilespmem:$0x10280] =	vst v63  }
0x7c: {  	s19 =	simm.s32 @!p0 $0x1280  }
0x7d: {  	[tilespmem:s19], [sflag:$0x1] =	stream.indirect_vreg.gather @!p0 [hbm4b:s6+s18], $0x80, v4, vm1, $0xb8;
	[tilespmem:$0x10280] =	vst v63  }
0x7e: {  	s19 =	simm.s32 @!p0 $0x1A80  }
0x7f: {  	[tilespmem:s19], [sflag:$0x1] =	stream.indirect_vreg.gather @!p0 [hbm4b:s7+s18], $0x80, v4, vm1, $0xb8;
	[tilespmem:$0x10280] =	vst v63  }
0x80: {  	s19 =	simm.s32 @!p0 $0x2280  }
0x81: {  	v5 =	vor.u32 @!p0 $0x8, v5;
	[tilespmem:s19], [sflag:$0x1] =	stream.indirect_vreg.gather @!p0 [hbm4b:s8+s18], $0x80, v4, vm1, $0xb8;
	[tilespmem:$0x10280] =	vst v63  }
0x82: {  	v3 =	vperm.xlane @!p0 v3, v5;
	s19 =	simm.s32 @!p0 $0x2A80  }
0x83: {  	[tilespmem:s19], [sflag:$0x1] =	stream.indirect_vreg.gather @!p0 [hbm4b:s9+s18], $0x80, v4, vm1, $0xb8;
	[tilespmem:$0x10280] =	vst v63  }
0x84: {  	v3 =	vadd.s32 @!p0 v6, v3;
	s19 =	simm.s32 @!p0 $0x3280  }
0x85: {  	[tilespmem:s19], [sflag:$0x1] =	stream.indirect_vreg.gather @!p0 [hbm4b:s10+s18], $0x80, v4, vm1, $0xb8;
	[tilespmem:$0x10280] =	vst v63  }
0x86: {  	s19 =	simm.s32 @!p0 $0x3A80  }
0x87: {  	[tilespmem:s19], [sflag:$0x1] =	stream.indirect_vreg.gather @!p0 [hbm4b:s11+s18], $0x80, v4, vm1, $0xb8;
	[tilespmem:$0x10280] =	vst v63  }
0x88: {  	s19 =	simm.s32 @!p0 $0x4280  }
0x89: {  	[tilespmem:s19], [sflag:$0x1] =	stream.indirect_vreg.gather @!p0 [hbm4b:s1+s18], $0x80, v3, vm1, $0xb8;
	[tilespmem:$0x10280] =	vst v63  }
0x8a: {  	s19 =	simm.s32 @!p0 $0x4A80  }
0x8b: {  	[tilespmem:s19], [sflag:$0x1] =	stream.indirect_vreg.gather @!p0 [hbm4b:s5+s18], $0x80, v3, vm1, $0xb8;
	[tilespmem:$0x10280] =	vst v63  }
0x8c: {  	s19 =	simm.s32 @!p0 $0x5280  }
0x8d: {  	[tilespmem:s19], [sflag:$0x1] =	stream.indirect_vreg.gather @!p0 [hbm4b:s6+s18], $0x80, v3, vm1, $0xb8;
	[tilespmem:$0x10280] =	vst v63  }
0x8e: {  	s19 =	simm.s32 @!p0 $0x5A80  }
0x8f: {  	[tilespmem:s19], [sflag:$0x1] =	stream.indirect_vreg.gather @!p0 [hbm4b:s7+s18], $0x80, v3, vm1, $0xb8;
	[tilespmem:$0x10280] =	vst v63  }
0x90: {  	s19 =	simm.s32 @!p0 $0x6280  }
0x91: {  	[tilespmem:s19], [sflag:$0x1] =	stream.indirect_vreg.gather @!p0 [hbm4b:s8+s18], $0x80, v3, vm1, $0xb8;
	[tilespmem:$0x10280] =	vst v63  }
0x92: {  	s19 =	simm.s32 @!p0 $0x6A80  }
0x93: {  	[tilespmem:s19], [sflag:$0x1] =	stream.indirect_vreg.gather @!p0 [hbm4b:s9+s18], $0x80, v3, vm1, $0xb8;
	[tilespmem:$0x10280] =	vst v63  }
0x94: {  	s19 =	simm.s32 @!p0 $0x7280  }
0x95: {  	[tilespmem:s19], [sflag:$0x1] =	stream.indirect_vreg.gather @!p0 [hbm4b:s10+s18], $0x80, v3, vm1, $0xb8;
	[tilespmem:$0x10280] =	vst v63  }
0x96: {  	s19 =	simm.s32 @!p0 $0x7A80  }
0x97: {  	[tilespmem:s19], [sflag:$0x1] =	stream.indirect_vreg.gather @!p0 [hbm4b:s11+s18], $0x80, v3, vm1, $0xb8;
	[tilespmem:$0x10280] =	vst v63  }
0x98: {  	_ =	swait.ge [sflag:s12], $0x8000  }
0x99: {  	[sflag:s12] =	ssyncset.done $0x0  }
.Ltmp2:
0x9a: {  	s19 =	sadd.s32 s17, s13;
	[sflag:s12] =	ssyncadd.s32 $0xFFFF8000;
	(pc) =	sbr.rel @p0 .LBB2_4-.Ltmp2, $4  }
0x9b: {  	[hbm4b:s19+s3] =	stream.linear.scatter [tilespmem:s0], [sflag:$0x3], $0x8000, $0x38;
	[tilespmem:$0x10280] =	vst v63  }
0x9c: {  	_ =	swait.ge [sflag:s15], $0x8000  }
0x9d: {  	[sflag:s15] =	ssyncset.done $0x0  }
0x9e: {  	[sflag:s15] =	ssyncadd.s32 $0xFFFF8000  }
0x9f: {  	v3 =	vld [tilespmem:s16+$0x0];
	_ =	sdelay $0x4  }
0xa0: {  	v4 =	vshll.u32 v3, $0x4  }
0xa1: {  	v3 =	vand.u32 $0x7, v3;
	v4 =	vand.u32 $0xFFFFFF80, v4  }
0xa2: {  	v3 =	vor.u32 v3, v4  }
0xa3: {  	v4 =	vperm.xlane v3, v0;
	_ =	sdelay $0x1  }
0xa4: {  	v4 =	vadd.s32 v1, v4;
	_ =	sdelay $0x4  }
0xa5: {  	[tilespmem:s0], [sflag:$0x2] =	stream.indirect_vreg.gather [hbm4b:s1+s3], $0x80, v4, vm0, $0xb8;
	[tilespmem:$0x10280] =	vst v63  }
0xa6: {  	s18 =	simm.s32 $0x8A80  }
0xa7: {  	[tilespmem:s18], [sflag:$0x2] =	stream.indirect_vreg.gather [hbm4b:s5+s3], $0x80, v4, vm0, $0xb8;
	[tilespmem:$0x10280] =	vst v63  }
0xa8: {  	s19 =	simm.s32 $0x9280  }
0xa9: {  	[tilespmem:s19], [sflag:$0x2] =	stream.indirect_vreg.gather [hbm4b:s6+s3], $0x80, v4, vm0, $0xb8;
	[tilespmem:$0x10280] =	vst v63  }
0xaa: {  	s19 =	simm.s32 $0x9A80  }
0xab: {  	[tilespmem:s19], [sflag:$0x2] =	stream.indirect_vreg.gather [hbm4b:s7+s3], $0x80, v4, vm0, $0xb8;
	[tilespmem:$0x10280] =	vst v63  }
0xac: {  	_ = 	snop  }
0xad: {  	[tilespmem:s20], [sflag:$0x2] =	stream.indirect_vreg.gather [hbm4b:s8+s3], $0x80, v4, vm0, $0xb8;
	[tilespmem:$0x10280] =	vst v63  }
0xae: {  	v3 =	vperm.xlane v3, v2  }
0xaf: {  	[tilespmem:s21], [sflag:$0x2] =	stream.indirect_vreg.gather [hbm4b:s9+s3], $0x80, v4, vm0, $0xb8;
	[tilespmem:$0x10280] =	vst v63  }
0xb0: {  	v3 =	vadd.s32 v1, v3  }
0xb1: {  	[tilespmem:s22], [sflag:$0x2] =	stream.indirect_vreg.gather [hbm4b:s10+s3], $0x80, v4, vm0, $0xb8;
	[tilespmem:$0x10280] =	vst v63  }
0xb2: {  	_ = 	snop  }
0xb3: {  	[tilespmem:s23], [sflag:$0x2] =	stream.indirect_vreg.gather [hbm4b:s11+s3], $0x80, v4, vm0, $0xb8;
	[tilespmem:$0x10280] =	vst v63  }
0xb4: {  	_ = 	snop  }
0xb5: {  	[tilespmem:s24], [sflag:$0x2] =	stream.indirect_vreg.gather [hbm4b:s1+s3], $0x80, v3, vm0, $0xb8;
	[tilespmem:$0x10280] =	vst v63  }
0xb6: {  	_ = 	snop  }
0xb7: {  	[tilespmem:s25], [sflag:$0x2] =	stream.indirect_vreg.gather [hbm4b:s5+s3], $0x80, v3, vm0, $0xb8;
	[tilespmem:$0x10280] =	vst v63  }
0xb8: {  	_ = 	snop  }
0xb9: {  	[tilespmem:s26], [sflag:$0x2] =	stream.indirect_vreg.gather [hbm4b:s6+s3], $0x80, v3, vm0, $0xb8;
	[tilespmem:$0x10280] =	vst v63  }
0xba: {  	_ = 	snop  }
0xbb: {  	[tilespmem:s28], [sflag:$0x2] =	stream.indirect_vreg.gather [hbm4b:s7+s3], $0x80, v3, vm0, $0xb8;
	[tilespmem:$0x10280] =	vst v63  }
0xbc: {  	_ = 	snop  }
0xbd: {  	[tilespmem:s29], [sflag:$0x2] =	stream.indirect_vreg.gather [hbm4b:s8+s3], $0x80, v3, vm0, $0xb8;
	[tilespmem:$0x10280] =	vst v63  }
0xbe: {  	_ = 	snop  }
0xbf: {  	[tilespmem:s30], [sflag:$0x2] =	stream.indirect_vreg.gather [hbm4b:s9+s3], $0x80, v3, vm0, $0xb8;
	[tilespmem:$0x10280] =	vst v63  }
.Ltmp3:
0xc0: {  	_ = 	snop;
	(pc) =	sbr.rel .LBB2_2-.Ltmp3, $4  }
0xc1: {  	_ = 	snop  }
0xc2: {  	[tilespmem:s31], [sflag:$0x2] =	stream.indirect_vreg.gather [hbm4b:s10+s3], $0x80, v3, vm0, $0xb8;
	[tilespmem:$0x10280] =	vst v63  }
0xc3: {  	s17 =	sadd.s32 $0x2000, s17;
	s16 =	sadd.s32 $0x20, s16  }
0xc4: {  	[tilespmem:s2], [sflag:$0x2] =	stream.indirect_vreg.gather [hbm4b:s11+s3], $0x80, v3, vm0, $0xb8;
	[tilespmem:$0x10280] =	vst v63  }
.LBB2_5:
0xc5: {  	_ =	sfence.sel $0x180000  }
0xc6: {  	[bflag:$0x0] =	sbarrier.arrive $0xFFFF  }
0xc7: {  	_ =	strace $0x90000047  }
0xc8: {  	s0 =	stileid.u32;
	[bflag:$0x2] =	sbarrier.arrive $0xFFFF  }
0xc9: {  	p0 =	sne.s32 s0, $0x0;
	s0 =	rddreg [dreg:$0x3]  }
0xca: {  	s0 =	sadd.s32 @!p0 $0x100000, s0  }
0xcb: {  	[sflag:s0] =	ssyncadd.tile.s32 @!p0 $0x1;
	_ =	shalt  }
.Lfunc_end2:
_tile_overlayer_lowered:
.L_overlay_start_2:
0xcc: {  	(tag) =	ssettag $0x2  }
0xcd: {  	s0 =	rddreg [dreg:$0x0];
	s2 =	stileid.u32  }
0xce: {  	s1 =	rddreg [dreg:$0x1];
	p0 =	sne.s32 s2, $0x0  }
0xcf: {  	s3 =	rddreg [dreg:$0x2];
	[bflag:$0x3] =	sbarrier.arrive $0xFFFF;
	s2 =	simm.s32 @!p0 $0x1C03  }
0xd0: {  	[timem:s3], [sflag:s2] =	dma.local @!p0 [hbm:s0], s1  }
0xd1: {  	s0 =	simm.s32 @!p0 $0x3  }
0xd2: {  	_ =	swait.ge @!p0 [sflag:s0], s1  }
0xd3: {  	s1 =	ssub.s32 @!p0 $0x0, s1;
	[sflag:s0] =	ssyncset.done @!p0 $0x0  }
0xd4: {  	[sflag:s0] =	ssyncadd.s32 @!p0 s1  }
0xd5: {  	[bflag:$0x3] =	sbarrier.arrive $0xFFFF  }
0xd6: {  	_ =	shalt  }

</sc_bundles>
